<compile_context>
chip_gen: v7x
topology: tpu7x:2x2x1
jax: 0.10.2.dev20260603
libtpu: 0.0.44.dev20260713+nightly
codegen_flags: <defaults>
</compile_context>

<pallas_src>
import functools

import jax
import jax.numpy as jnp
from jax import lax
from jax.experimental import pallas as pl
from jax.experimental.pallas import tpu as pltpu
from jax.experimental.pallas import tpu_sc as plsc

N = 10000
E = 320000
D_ATOM = 64
D_FT = 64
D_IN = 128
H = 128
P_DIM = 64
NG = 256
NFT = 1000

NC = 2
NS = 16
NW = NC * NS

EC = 128
EPW_CHUNKS = 80
GRP = 40
E_PAD = NW * EPW_CHUNKS * EC

RPW = 320
N_PAD = NW * RPW
ROWS_PER_SUB = N_PAD // NS

_HI = jax.lax.Precision.DEFAULT

def _vector_mesh():
    return plsc.VectorSubcoreMesh(core_axis_name="c", subcore_axis_name="s")



@jax.jit
def _sc_build_h0(ft, ftidx, x_pad):

    @functools.partial(
        pl.kernel,
        out_type=jax.ShapeDtypeStruct((N_PAD, D_IN), jnp.float32),
        mesh=_vector_mesh(),
        scratch_types=[
            pltpu.VMEM((RPW,), jnp.int32),
            pltpu.VMEM((RPW, D_IN), jnp.float32),
            pltpu.VMEM((RPW, D_ATOM), jnp.float32),
            pltpu.SemaphoreType.DMA,
            pltpu.SemaphoreType.DMA,
        ],
    )
    def k(ft_hbm, idx_hbm, x_hbm, out_hbm, idx_v, rows_v, xrows_v, sem, xsem):
        cid = lax.axis_index("c")
        sid = lax.axis_index("s")
        wid = sid * NC + cid
        base = wid * RPW
        xcp = pltpu.make_async_copy(x_hbm.at[pl.ds(base, RPW)], xrows_v, xsem)
        xcp.start()
        pltpu.sync_copy(idx_hbm.at[pl.ds(base, RPW)], idx_v)
        cps = [
            pltpu.make_async_copy(ft_hbm.at[idx_v.at[pl.ds(off, sz)]],
                                  rows_v.at[pl.ds(off, sz)], sem)
            for off, sz in ((0, 128), (128, 128), (256, 64))
        ]
        for cp in cps:
            cp.start()
        xcp.wait()
        for cp in cps:
            cp.wait()

        @pl.loop(0, RPW)
        def _(r):
            for c in range(0, D_ATOM, 16):
                rows_v[r, pl.ds(c, 16)] = xrows_v[r, pl.ds(c, 16)]

        pltpu.sync_copy(rows_v, out_hbm.at[pl.ds(base, RPW)])

    return k(ft, ftidx, x_pad)


@jax.jit
def _sc_edge_agg(table, src, dst, zeros):
    d = table.shape[1]

    @functools.partial(
        pl.kernel,
        out_type=jax.ShapeDtypeStruct((NC, N_PAD, d), jnp.float32),
        mesh=_vector_mesh(),
        scratch_types=[
            pltpu.VMEM((GRP, EC), jnp.int32),
            pltpu.VMEM((GRP, EC), jnp.int32),
            pltpu.VMEM((EC, d), jnp.float32),
            pltpu.VMEM((EC, d), jnp.float32),
            pltpu.VMEM_SHARED((N_PAD, d), jnp.float32),
            pltpu.SemaphoreType.DMA,
            pltpu.SemaphoreType.DMA,
        ],
    )
    def k(table_hbm, src_hbm, dst_hbm, zeros_hbm, out_hbm,
          src_v, dst_v, rows0_v, rows1_v, agg_sh, sem0, sem1):
        cid = lax.axis_index("c")
        sid = lax.axis_index("s")
        wid = sid * NC + cid
        rbase = sid * ROWS_PER_SUB
        pltpu.sync_copy(zeros_hbm.at[pl.ds(rbase, ROWS_PER_SUB)],
                        agg_sh.at[pl.ds(rbase, ROWS_PER_SUB)])
        plsc.subcore_barrier()

        def gat(j, buf, sem):
            return pltpu.make_async_copy(table_hbm.at[src_v.at[j]], buf, sem)

        @pl.loop(0, EPW_CHUNKS // GRP)
        def _(g):
            pltpu.sync_copy(src_hbm.at[wid, pl.ds(g * GRP, GRP)], src_v)
            pltpu.sync_copy(dst_hbm.at[wid, pl.ds(g * GRP, GRP)], dst_v)
            gat(0, rows0_v, sem0).start()

            @pl.loop(0, GRP, step=2)
            def _(j):
                gat(j + 1, rows1_v, sem1).start()
                gat(j, rows0_v, sem0).wait()
                pltpu.sync_copy(rows0_v, agg_sh.at[dst_v.at[j]], add=True)

                @pl.when(j + 2 < GRP)
                def _():
                    gat(j + 2, rows0_v, sem0).start()

                gat(j + 1, rows1_v, sem1).wait()
                pltpu.sync_copy(rows1_v, agg_sh.at[dst_v.at[j + 1]], add=True)

        plsc.subcore_barrier()
        pltpu.sync_copy(agg_sh.at[pl.ds(rbase, ROWS_PER_SUB)],
                        out_hbm.at[cid, pl.ds(rbase, ROWS_PER_SUB)])

    return k(table, src, dst, zeros)



def _dot_t(a, b_ref):
    return lax.dot_general(a, b_ref, (((1,), (1,)), ((), ())),
                           preferred_element_type=jnp.float32, precision=_HI)


def _layer_tc(partials, h_prev, w_l, w_self, b):
    blk = 1024

    def body(p_ref, h_ref, wl_ref, ws_ref, b_ref, o_ref):
        agg = p_ref[0] + p_ref[1]
        t = (_dot_t(agg, wl_ref[...]) + _dot_t(h_ref[...], ws_ref[...])
             + b_ref[...])
        o_ref[...] = jnp.where(t > 0, t, 0.1 * t)

    return pl.pallas_call(
        body,
        grid=(N_PAD // blk,),
        in_specs=[
            pl.BlockSpec((NC, blk, H), lambda i: (0, i, 0)),
            pl.BlockSpec((blk, D_IN), lambda i: (i, 0)),
            pl.BlockSpec((H, H), lambda i: (0, 0)),
            pl.BlockSpec((H, D_IN), lambda i: (0, 0)),
            pl.BlockSpec((1, H), lambda i: (0, 0)),
        ],
        out_specs=pl.BlockSpec((blk, H), lambda i: (i, 0)),
        out_shape=jax.ShapeDtypeStruct((N_PAD, H), jnp.float32),
    )(partials, h_prev, w_l, w_self, b)


def _combine_pool_head_tc(partials, h_prev, w_l, w_self, b, batch_blocks, wp,
                          l1w, l1b, l2w, l2b):
    blk = 256
    nblk = N_PAD // blk

    def body(p_ref, h_ref, wl_ref, ws_ref, bb_ref, b_ref, wp_ref,
             l1w_ref, l1b_ref, l2w_ref, l2b_ref, o_ref, g_acc):
        i = pl.program_id(0)

        @pl.when(i == 0)
        def _():
            g_acc[...] = jnp.zeros_like(g_acc)

        agg = p_ref[0] + p_ref[1]
        t = (_dot_t(agg, wl_ref[...]) + _dot_t(h_ref[...], ws_ref[...])
             + bb_ref[...])
        h2 = jnp.where(t > 0, t, 0.1 * t)
        hp = _dot_t(h2, wp_ref[...])
        seg = b_ref[0, 0, :]
        onehot_t = (lax.broadcasted_iota(jnp.int32, (NG, blk), 0)
                    == seg[None, :]).astype(jnp.float32)
        g_acc[...] += lax.dot_general(
            onehot_t, hp, (((1,), (0,)), ((), ())),
            preferred_element_type=jnp.float32,
            precision=jax.lax.Precision.HIGHEST)

        @pl.when(i == nblk - 1)
        def _():
            g = g_acc[...]
            g = jnp.where(g > 0, g, 0.1 * g)
            a = _dot_t(g, l1w_ref[...]) + l1b_ref[...]
            a = jnp.maximum(a, 0.0)
            o = jnp.sum(a * l2w_ref[...], axis=1, keepdims=True)
            o_ref[...] = o + l2b_ref[...]

    return pl.pallas_call(
        body,
        grid=(nblk,),
        in_specs=[
            pl.BlockSpec((NC, blk, H), lambda i: (0, i, 0)),
            pl.BlockSpec((blk, H), lambda i: (i, 0)),
            pl.BlockSpec((H, H), lambda i: (0, 0)),
            pl.BlockSpec((H, H), lambda i: (0, 0)),
            pl.BlockSpec((1, H), lambda i: (0, 0)),
            pl.BlockSpec((1, 1, blk), lambda i: (i, 0, 0)),
            pl.BlockSpec((P_DIM, H), lambda i: (0, 0)),
            pl.BlockSpec((64, P_DIM), lambda i: (0, 0)),
            pl.BlockSpec((1, 64), lambda i: (0, 0)),
            pl.BlockSpec((1, 64), lambda i: (0, 0)),
            pl.BlockSpec((1, 1), lambda i: (0, 0)),
        ],
        out_specs=pl.BlockSpec((NG, 1), lambda i: (0, 0)),
        out_shape=jax.ShapeDtypeStruct((NG, 1), jnp.float32),
        scratch_shapes=[pltpu.VMEM((NG, P_DIM), jnp.float32)],
    )(partials, h_prev, w_l, w_self, b, batch_blocks, wp, l1w, l1b, l2w, l2b)



def kernel(x, x_FT_index, edge_index, batch, FT_output,
           W1_l, W1_self, b1, W2_l, W2_self, b2,
           Wp, L1_W, L1_b, L2_W, L2_b):
    src = edge_index[0].astype(jnp.int32)
    dst = edge_index[1].astype(jnp.int32)
    pad_e = E_PAD - E
    pad_ids = jnp.arange(pad_e, dtype=jnp.int32)
    src_p = jnp.concatenate([src, pad_ids % N]).reshape(NW, EPW_CHUNKS, EC)
    dst_p = jnp.concatenate([dst, N + pad_ids % (N_PAD - N)]
                            ).reshape(NW, EPW_CHUNKS, EC)
    ftidx_p = jnp.pad(x_FT_index.astype(jnp.int32), (0, N_PAD - N))
    x_pad = jnp.pad(x, ((0, N_PAD - N), (0, 0)))
    batch_p = jnp.concatenate(
        [batch.astype(jnp.int32),
         jnp.full((N_PAD - N,), NG, jnp.int32)]).reshape(N_PAD // 256, 1, 256)
    zeros = jnp.zeros((N_PAD, D_IN), jnp.float32)
    b1r = b1.reshape(1, H)
    b2r = b2.reshape(1, H)
    l1b = L1_b.reshape(1, 64)
    l2b = L2_b.reshape(1, 1)

    ft128 = jnp.pad(FT_output, ((0, 0), (D_IN - D_FT, 0)))
    h0 = _sc_build_h0(ft128, ftidx_p, x_pad)

    parts1 = _sc_edge_agg(h0, src_p, dst_p, zeros)
    h1 = _layer_tc(parts1, h0, W1_l, W1_self, b1r)

    parts2 = _sc_edge_agg(h1, src_p, dst_p, zeros)
    return _combine_pool_head_tc(parts2, h1, W2_l, W2_self, b2r, batch_p, Wp,
                                 L1_W, l1b, L2_W, l2b)

# --- scband reference (transcript-rebuilt; emitter-appended) ---
"""Pipeline reference for scband-gnn-2-l-int-no-edge-type-25125558682224 (READ-ONLY COPY).

The authoritative reference and input builder live on the scoring server;
editing this copy changes nothing except your own understanding.
"""

import jax, jax.numpy as jnp
import numpy as np

N = 10000
E = 320000
D_ATOM = 64
D_FT = 64
D_IN = D_ATOM + D_FT
H = 128
P = 64
NG = 256
NFT = 1000
ANN0 = 64
ANN1 = 1


def setup_inputs(seed: int = 0) -> dict:
    key = jax.random.key(seed)
    ks = jax.random.split(key, 16)
    scale = 0.05
    inp = {}
    inp['x'] = jax.random.normal(ks[0], (N, D_ATOM), dtype=jnp.float32)
    inp['x_FT_index'] = jax.random.randint(ks[1], (N,), 0, NFT, dtype=jnp.int64 if jax.config.jax_enable_x64 else jnp.int32)
    inp['edge_index'] = jax.random.randint(ks[2], (2, E), 0, N, dtype=jnp.int64 if jax.config.jax_enable_x64 else jnp.int32)
    inp['batch'] = jnp.sort(jax.random.randint(ks[3], (N,), 0, NG, dtype=jnp.int64 if jax.config.jax_enable_x64 else jnp.int32))
    inp['FT_output'] = jax.random.normal(ks[4], (NFT, D_FT), dtype=jnp.float32)
    # learned parameters
    inp['W1_l'] = jax.random.normal(ks[5], (H, D_IN), dtype=jnp.float32) * scale
    inp['W1_self'] = jax.random.normal(ks[6], (H, D_IN), dtype=jnp.float32) * scale
    inp['b1'] = jnp.zeros((H,), dtype=jnp.float32)
    inp['W2_l'] = jax.random.normal(ks[7], (H, H), dtype=jnp.float32) * scale
    inp['W2_self'] = jax.random.normal(ks[8], (H, H), dtype=jnp.float32) * scale
    inp['b2'] = jnp.zeros((H,), dtype=jnp.float32)
    inp['Wp'] = jax.random.normal(ks[9], (P, H), dtype=jnp.float32) * scale
    inp['L1_W'] = jax.random.normal(ks[10], (ANN0, P), dtype=jnp.float32) * scale
    inp['L1_b'] = jax.random.normal(ks[11], (ANN0,), dtype=jnp.float32) * scale
    inp['L2_W'] = jax.random.normal(ks[12], (ANN1, ANN0), dtype=jnp.float32) * scale
    inp['L2_b'] = jax.random.normal(ks[13], (ANN1,), dtype=jnp.float32) * scale
    return inp


def _leaky(v):
    return jnp.where(v > 0, v, 0.1 * v)


def reference(x, x_FT_index, edge_index, batch, FT_output,
              W1_l, W1_self, b1, W2_l, W2_self, b2,
              Wp, L1_W, L1_b, L2_W, L2_b):
    # concat node features with gathered fragment features
    h = jnp.concatenate([x, jnp.take(FT_output, x_FT_index, axis=0)], axis=1)
    src = edge_index[0]
    dst = edge_index[1]
    # conv layer 1: propagate (scatter-add of x_j into dst) then linear + self linear + bias
    agg = jax.ops.segment_sum(jnp.take(h, src, axis=0), dst, num_segments=N)
    h = agg @ W1_l.T + h @ W1_self.T + b1
    h = _leaky(h)
    # conv layer 2
    agg = jax.ops.segment_sum(jnp.take(h, src, axis=0), dst, num_segments=N)
    h = agg @ W2_l.T + h @ W2_self.T + b2
    h = _leaky(h)
    # project to p_channels
    h = h @ Wp.T
    # global add pool per graph
    g = jax.ops.segment_sum(h, batch, num_segments=NG)
    g = _leaky(g)
    # ANN head
    g = jax.nn.relu(g @ L1_W.T + L1_b)
    out = g @ L2_W.T + L2_b
    return out

if __name__ == "__main__":
    import jax
    _d = setup_inputs()
    print(jax.jit(kernel)(*tuple(_d.values())))

</pallas_src>

<mosaic_0001>
#map = affine_map<(d0, d1) -> (0, 0)>
#map1 = affine_map<(d0, d1) -> (0)>
module attributes {stable_mosaic.version = 14 : i64} {
  func.func @k(%arg0: i32, %arg1: i32, %arg2: memref<1000x128xf32, #tpu.memory_space<hbm>>, %arg3: memref<10240xi32, #tpu.memory_space<hbm>>, %arg4: memref<10240x64xf32, #tpu.memory_space<hbm>>, %arg5: memref<10240x128xf32, #tpu.memory_space<hbm>>, %arg6: memref<320xi32, #tpu.memory_space<vmem>>, %arg7: memref<320x128xf32, #tpu.memory_space<vmem>>, %arg8: memref<320x64xf32, #tpu.memory_space<vmem>>, %arg9: memref<!tpu.dma_semaphore, #tpu.memory_space<semaphore_mem>>, %arg10: memref<!tpu.dma_semaphore, #tpu.memory_space<semaphore_mem>>) attributes {dimension_semantics = [#tpu.dimension_semantics<core_parallel>, #tpu.dimension_semantics<subcore_parallel>], iteration_bounds = array<i64: 2, 16>, scalar_prefetch = 0 : i64, scratch_operands = 5 : i64, tpu.core_type = #tpu.core_type<sc_vector_subcore>, window_params = [{transform_indices = #map}, {transform_indices = #map1}, {transform_indices = #map}, {transform_indices = #map}]} {
    %mul3A = arith.constant 2 : i32
    %mul3A_0 = arith.muli %arg1, %mul3A : i32
    %add3A = arith.addi %mul3A_0, %arg0 : i32
    %mul3A_1 = arith.constant 320 : i32
    %mul3A_2 = arith.muli %add3A, %mul3A_1 : i32
    %dma_start3A = arith.constant 0 : i32
    %dma_start3A_3 = tpu.memref_slice %arg4[%mul3A_2, %dma_start3A] : memref<10240x64xf32, #tpu.memory_space<hbm>> -> memref<320x64xf32, #tpu.memory_space<hbm>>
    %dma_start3A_4 = arith.constant 0 : i32
    %dma_start3A_5 = tpu.memref_slice %arg4[%mul3A_2, %dma_start3A_4] : memref<10240x64xf32, #tpu.memory_space<hbm>> -> memref<320x64xf32, #tpu.memory_space<hbm>>
    tpu.enqueue_dma source(%dma_start3A_5 : memref<320x64xf32, #tpu.memory_space<hbm>>) target(%arg8 : memref<320x64xf32, #tpu.memory_space<vmem>>) target_semaphore(%arg10 : memref<!tpu.dma_semaphore, #tpu.memory_space<semaphore_mem>>)
    "tpu.region"() ({
      %run_scoped3A = tpu.sem_alloc : memref<!tpu.dma_semaphore, #tpu.memory_space<semaphore_mem>>
      %dma_start3A_61 = tpu.memref_slice %arg3[%mul3A_2] : memref<10240xi32, #tpu.memory_space<hbm>> -> memref<320xi32, #tpu.memory_space<hbm>>
      %dma_start3A_62 = tpu.memref_slice %arg3[%mul3A_2] : memref<10240xi32, #tpu.memory_space<hbm>> -> memref<320xi32, #tpu.memory_space<hbm>>
      tpu.enqueue_dma source(%dma_start3A_62 : memref<320xi32, #tpu.memory_space<hbm>>) target(%arg6 : memref<320xi32, #tpu.memory_space<vmem>>) target_semaphore(%run_scoped3A : memref<!tpu.dma_semaphore, #tpu.memory_space<semaphore_mem>>)
      %dma_wait3A_63 = tpu.memref_slice %arg3[%mul3A_2] : memref<10240xi32, #tpu.memory_space<hbm>> -> memref<320xi32, #tpu.memory_space<hbm>>
      %dma_wait3A_64 = tpu.memref_slice %arg3[%mul3A_2] : memref<10240xi32, #tpu.memory_space<hbm>> -> memref<320xi32, #tpu.memory_space<hbm>>
      tpu.wait_dma2 semaphore(%run_scoped3A : memref<!tpu.dma_semaphore, #tpu.memory_space<semaphore_mem>>) src(%dma_wait3A_64 : memref<320xi32, #tpu.memory_space<hbm>>) dst(%arg6 : memref<320xi32, #tpu.memory_space<vmem>>)
      tpu.yield
    }) : () -> ()
    %dma_start3A_6 = arith.constant 0 : i32
    %dma_start3A_7 = arith.constant 0 : i32
    %dma_start3A_8 = tpu.memref_slice %arg7[%dma_start3A_6, %dma_start3A_7] : memref<320x128xf32, #tpu.memory_space<vmem>> -> memref<128x128xf32, #tpu.memory_space<vmem>>
    %dma_start3A_9 = arith.constant 0 : i32
    %dma_start3A_10 = tpu.memref_slice %arg6[%dma_start3A_9] : memref<320xi32, #tpu.memory_space<vmem>> -> memref<128xi32, #tpu.memory_space<vmem>>
    %dma_start3A_11 = arith.constant 0 : i32
    %dma_start3A_12 = arith.constant 0 : i32
    %dma_start3A_13 = tpu.memref_slice %arg2[%dma_start3A_11, %dma_start3A_12] : memref<1000x128xf32, #tpu.memory_space<hbm>> -> memref<1000x128xf32, #tpu.memory_space<hbm>>
    tpu.enqueue_indirect_dma source(%dma_start3A_13 : memref<1000x128xf32, #tpu.memory_space<hbm>>) target(%dma_start3A_8 : memref<128x128xf32, #tpu.memory_space<vmem>>) offsets(%dma_start3A_10 : memref<128xi32, #tpu.memory_space<vmem>>) semaphore(%arg9 : memref<!tpu.dma_semaphore, #tpu.memory_space<semaphore_mem>>)
    %dma_start3A_14 = arith.constant 128 : i32
    %dma_start3A_15 = arith.constant 0 : i32
    %dma_start3A_16 = tpu.memref_slice %arg7[%dma_start3A_14, %dma_start3A_15] : memref<320x128xf32, #tpu.memory_space<vmem>> -> memref<128x128xf32, #tpu.memory_space<vmem>>
    %dma_start3A_17 = arith.constant 128 : i32
    %dma_start3A_18 = tpu.memref_slice %arg6[%dma_start3A_17] : memref<320xi32, #tpu.memory_space<vmem>> -> memref<128xi32, #tpu.memory_space<vmem>>
    %dma_start3A_19 = arith.constant 0 : i32
    %dma_start3A_20 = arith.constant 0 : i32
    %dma_start3A_21 = tpu.memref_slice %arg2[%dma_start3A_19, %dma_start3A_20] : memref<1000x128xf32, #tpu.memory_space<hbm>> -> memref<1000x128xf32, #tpu.memory_space<hbm>>
    tpu.enqueue_indirect_dma source(%dma_start3A_21 : memref<1000x128xf32, #tpu.memory_space<hbm>>) target(%dma_start3A_16 : memref<128x128xf32, #tpu.memory_space<vmem>>) offsets(%dma_start3A_18 : memref<128xi32, #tpu.memory_space<vmem>>) semaphore(%arg9 : memref<!tpu.dma_semaphore, #tpu.memory_space<semaphore_mem>>)
    %dma_start3A_22 = arith.constant 256 : i32
    %dma_start3A_23 = arith.constant 0 : i32
    %dma_start3A_24 = tpu.memref_slice %arg7[%dma_start3A_22, %dma_start3A_23] : memref<320x128xf32, #tpu.memory_space<vmem>> -> memref<64x128xf32, #tpu.memory_space<vmem>>
    %dma_start3A_25 = arith.constant 256 : i32
    %dma_start3A_26 = tpu.memref_slice %arg6[%dma_start3A_25] : memref<320xi32, #tpu.memory_space<vmem>> -> memref<64xi32, #tpu.memory_space<vmem>>
    %dma_start3A_27 = arith.constant 0 : i32
    %dma_start3A_28 = arith.constant 0 : i32
    %dma_start3A_29 = tpu.memref_slice %arg2[%dma_start3A_27, %dma_start3A_28] : memref<1000x128xf32, #tpu.memory_space<hbm>> -> memref<1000x128xf32, #tpu.memory_space<hbm>>
    tpu.enqueue_indirect_dma source(%dma_start3A_29 : memref<1000x128xf32, #tpu.memory_space<hbm>>) target(%dma_start3A_24 : memref<64x128xf32, #tpu.memory_space<vmem>>) offsets(%dma_start3A_26 : memref<64xi32, #tpu.memory_space<vmem>>) semaphore(%arg9 : memref<!tpu.dma_semaphore, #tpu.memory_space<semaphore_mem>>)
    %dma_wait3A = arith.constant 0 : i32
    %dma_wait3A_30 = tpu.memref_slice %arg4[%mul3A_2, %dma_wait3A] : memref<10240x64xf32, #tpu.memory_space<hbm>> -> memref<320x64xf32, #tpu.memory_space<hbm>>
    %dma_wait3A_31 = arith.constant 0 : i32
    %dma_wait3A_32 = tpu.memref_slice %arg4[%mul3A_2, %dma_wait3A_31] : memref<10240x64xf32, #tpu.memory_space<hbm>> -> memref<320x64xf32, #tpu.memory_space<hbm>>
    tpu.wait_dma2 semaphore(%arg10 : memref<!tpu.dma_semaphore, #tpu.memory_space<semaphore_mem>>) src(%dma_wait3A_32 : memref<320x64xf32, #tpu.memory_space<hbm>>) dst(%arg8 : memref<320x64xf32, #tpu.memory_space<vmem>>)
    %dma_wait3A_33 = arith.constant 0 : i32
    %dma_wait3A_34 = arith.constant 0 : i32
    %dma_wait3A_35 = tpu.memref_slice %arg7[%dma_wait3A_33, %dma_wait3A_34] : memref<320x128xf32, #tpu.memory_space<vmem>> -> memref<128x128xf32, #tpu.memory_space<vmem>>
    %dma_wait3A_36 = arith.constant 0 : i32
    %dma_wait3A_37 = tpu.memref_slice %arg6[%dma_wait3A_36] : memref<320xi32, #tpu.memory_space<vmem>> -> memref<128xi32, #tpu.memory_space<vmem>>
    %dma_wait3A_38 = arith.constant 0 : i32
    %dma_wait3A_39 = arith.constant 0 : i32
    %dma_wait3A_40 = tpu.memref_slice %arg2[%dma_wait3A_38, %dma_wait3A_39] : memref<1000x128xf32, #tpu.memory_space<hbm>> -> memref<1000x128xf32, #tpu.memory_space<hbm>>
    tpu.wait_indirect_dma semaphore(%arg9 : memref<!tpu.dma_semaphore, #tpu.memory_space<semaphore_mem>>) src(%dma_wait3A_40 : memref<1000x128xf32, #tpu.memory_space<hbm>>) dst(%dma_wait3A_35 : memref<128x128xf32, #tpu.memory_space<vmem>>)
    %dma_wait3A_41 = arith.constant 128 : i32
    %dma_wait3A_42 = arith.constant 0 : i32
    %dma_wait3A_43 = tpu.memref_slice %arg7[%dma_wait3A_41, %dma_wait3A_42] : memref<320x128xf32, #tpu.memory_space<vmem>> -> memref<128x128xf32, #tpu.memory_space<vmem>>
    %dma_wait3A_44 = arith.constant 128 : i32
    %dma_wait3A_45 = tpu.memref_slice %arg6[%dma_wait3A_44] : memref<320xi32, #tpu.memory_space<vmem>> -> memref<128xi32, #tpu.memory_space<vmem>>
    %dma_wait3A_46 = arith.constant 0 : i32
    %dma_wait3A_47 = arith.constant 0 : i32
    %dma_wait3A_48 = tpu.memref_slice %arg2[%dma_wait3A_46, %dma_wait3A_47] : memref<1000x128xf32, #tpu.memory_space<hbm>> -> memref<1000x128xf32, #tpu.memory_space<hbm>>
    tpu.wait_indirect_dma semaphore(%arg9 : memref<!tpu.dma_semaphore, #tpu.memory_space<semaphore_mem>>) src(%dma_wait3A_48 : memref<1000x128xf32, #tpu.memory_space<hbm>>) dst(%dma_wait3A_43 : memref<128x128xf32, #tpu.memory_space<vmem>>)
    %dma_wait3A_49 = arith.constant 256 : i32
    %dma_wait3A_50 = arith.constant 0 : i32
    %dma_wait3A_51 = tpu.memref_slice %arg7[%dma_wait3A_49, %dma_wait3A_50] : memref<320x128xf32, #tpu.memory_space<vmem>> -> memref<64x128xf32, #tpu.memory_space<vmem>>
    %dma_wait3A_52 = arith.constant 256 : i32
    %dma_wait3A_53 = tpu.memref_slice %arg6[%dma_wait3A_52] : memref<320xi32, #tpu.memory_space<vmem>> -> memref<64xi32, #tpu.memory_space<vmem>>
    %dma_wait3A_54 = arith.constant 0 : i32
    %dma_wait3A_55 = arith.constant 0 : i32
    %dma_wait3A_56 = tpu.memref_slice %arg2[%dma_wait3A_54, %dma_wait3A_55] : memref<1000x128xf32, #tpu.memory_space<hbm>> -> memref<1000x128xf32, #tpu.memory_space<hbm>>
    tpu.wait_indirect_dma semaphore(%arg9 : memref<!tpu.dma_semaphore, #tpu.memory_space<semaphore_mem>>) src(%dma_wait3A_56 : memref<1000x128xf32, #tpu.memory_space<hbm>>) dst(%dma_wait3A_51 : memref<64x128xf32, #tpu.memory_space<vmem>>)
    %scan3A = arith.constant 0 : i32
    %scan3A_57 = arith.constant 320 : i32
    %scan3A_58 = arith.addi %scan3A, %scan3A_57 : i32
    %scan3A_59 = arith.constant 1 : i32
    scf.for %scan3A_61 = %scan3A to %scan3A_58 step %scan3A_59  : i32 {
      %mul3A_62 = arith.constant 1 : i32
      %mul3A_63 = arith.muli %scan3A_61, %mul3A_62 : i32
      %add3A_64 = arith.constant 0 : i32
      %add3A_65 = arith.addi %add3A_64, %mul3A_63 : i32
      %get3A = arith.index_cast %add3A_65 : i32 to index
      %get3A_66 = arith.constant 0 : index
      %get3A_67 = tpu.vector_load %arg8[%get3A, %get3A_66] {strides = array<i32>} : memref<320x64xf32, #tpu.memory_space<vmem>>, vector<1x16xf32>,
      %get3A_68 = vector.shape_cast %get3A_67 : vector<1x16xf32> to vector<16xf32>
      %swap3A = arith.index_cast %add3A_65 : i32 to index
      %swap3A_69 = arith.constant 0 : index
      %swap3A_70 = tpu.vector_load %arg7[%swap3A, %swap3A_69] {strides = array<i32>} : memref<320x128xf32, #tpu.memory_space<vmem>>, vector<1x16xf32>,
      %swap3A_71 = vector.shape_cast %swap3A_70 : vector<1x16xf32> to vector<16xf32>
      %swap3A_72 = vector.shape_cast %get3A_68 : vector<16xf32> to vector<1x16xf32>
      tpu.vector_store %arg7[%swap3A, %swap3A_69], %swap3A_72 {strides = array<i32>} : memref<320x128xf32, #tpu.memory_space<vmem>>, vector<1x16xf32>,
      %get3A_73 = arith.index_cast %add3A_65 : i32 to index
      %get3A_74 = arith.constant 16 : index
      %get3A_75 = tpu.vector_load %arg8[%get3A_73, %get3A_74] {strides = array<i32>} : memref<320x64xf32, #tpu.memory_space<vmem>>, vector<1x16xf32>,
      %get3A_76 = vector.shape_cast %get3A_75 : vector<1x16xf32> to vector<16xf32>
      %swap3A_77 = arith.index_cast %add3A_65 : i32 to index
      %swap3A_78 = arith.constant 16 : index
      %swap3A_79 = tpu.vector_load %arg7[%swap3A_77, %swap3A_78] {strides = array<i32>} : memref<320x128xf32, #tpu.memory_space<vmem>>, vector<1x16xf32>,
      %swap3A_80 = vector.shape_cast %swap3A_79 : vector<1x16xf32> to vector<16xf32>
      %swap3A_81 = vector.shape_cast %get3A_76 : vector<16xf32> to vector<1x16xf32>
      tpu.vector_store %arg7[%swap3A_77, %swap3A_78], %swap3A_81 {strides = array<i32>} : memref<320x128xf32, #tpu.memory_space<vmem>>, vector<1x16xf32>,
      %get3A_82 = arith.index_cast %add3A_65 : i32 to index
      %get3A_83 = arith.constant 32 : index
      %get3A_84 = tpu.vector_load %arg8[%get3A_82, %get3A_83] {strides = array<i32>} : memref<320x64xf32, #tpu.memory_space<vmem>>, vector<1x16xf32>,
      %get3A_85 = vector.shape_cast %get3A_84 : vector<1x16xf32> to vector<16xf32>
      %swap3A_86 = arith.index_cast %add3A_65 : i32 to index
      %swap3A_87 = arith.constant 32 : index
      %swap3A_88 = tpu.vector_load %arg7[%swap3A_86, %swap3A_87] {strides = array<i32>} : memref<320x128xf32, #tpu.memory_space<vmem>>, vector<1x16xf32>,
      %swap3A_89 = vector.shape_cast %swap3A_88 : vector<1x16xf32> to vector<16xf32>
      %swap3A_90 = vector.shape_cast %get3A_85 : vector<16xf32> to vector<1x16xf32>
      tpu.vector_store %arg7[%swap3A_86, %swap3A_87], %swap3A_90 {strides = array<i32>} : memref<320x128xf32, #tpu.memory_space<vmem>>, vector<1x16xf32>,
      %get3A_91 = arith.index_cast %add3A_65 : i32 to index
      %get3A_92 = arith.constant 48 : index
      %get3A_93 = tpu.vector_load %arg8[%get3A_91, %get3A_92] {strides = array<i32>} : memref<320x64xf32, #tpu.memory_space<vmem>>, vector<1x16xf32>,
      %get3A_94 = vector.shape_cast %get3A_93 : vector<1x16xf32> to vector<16xf32>
      %swap3A_95 = arith.index_cast %add3A_65 : i32 to index
      %swap3A_96 = arith.constant 48 : index
      %swap3A_97 = tpu.vector_load %arg7[%swap3A_95, %swap3A_96] {strides = array<i32>} : memref<320x128xf32, #tpu.memory_space<vmem>>, vector<1x16xf32>,
      %swap3A_98 = vector.shape_cast %swap3A_97 : vector<1x16xf32> to vector<16xf32>
      %swap3A_99 = vector.shape_cast %get3A_94 : vector<16xf32> to vector<1x16xf32>
      tpu.vector_store %arg7[%swap3A_95, %swap3A_96], %swap3A_99 {strides = array<i32>} : memref<320x128xf32, #tpu.memory_space<vmem>>, vector<1x16xf32>,
    }
    %scan3A_60 = arith.constant 320 : i32
    "tpu.region"() ({
      %run_scoped3A = tpu.sem_alloc : memref<!tpu.dma_semaphore, #tpu.memory_space<semaphore_mem>>
      %dma_start3A_61 = arith.constant 0 : i32
      %dma_start3A_62 = tpu.memref_slice %arg5[%mul3A_2, %dma_start3A_61] : memref<10240x128xf32, #tpu.memory_space<hbm>> -> memref<320x128xf32, #tpu.memory_space<hbm>>
      %dma_start3A_63 = arith.constant 0 : i32
      %dma_start3A_64 = tpu.memref_slice %arg5[%mul3A_2, %dma_start3A_63] : memref<10240x128xf32, #tpu.memory_space<hbm>> -> memref<320x128xf32, #tpu.memory_space<hbm>>
      tpu.enqueue_dma source(%arg7 : memref<320x128xf32, #tpu.memory_space<vmem>>) target(%dma_start3A_64 : memref<320x128xf32, #tpu.memory_space<hbm>>) target_semaphore(%run_scoped3A : memref<!tpu.dma_semaphore, #tpu.memory_space<semaphore_mem>>)
      %dma_wait3A_65 = arith.constant 0 : i32
      %dma_wait3A_66 = tpu.memref_slice %arg5[%mul3A_2, %dma_wait3A_65] : memref<10240x128xf32, #tpu.memory_space<hbm>> -> memref<320x128xf32, #tpu.memory_space<hbm>>
      %dma_wait3A_67 = arith.constant 0 : i32
      %dma_wait3A_68 = tpu.memref_slice %arg5[%mul3A_2, %dma_wait3A_67] : memref<10240x128xf32, #tpu.memory_space<hbm>> -> memref<320x128xf32, #tpu.memory_space<hbm>>
      tpu.wait_dma2 semaphore(%run_scoped3A : memref<!tpu.dma_semaphore, #tpu.memory_space<semaphore_mem>>) src(%arg7 : memref<320x128xf32, #tpu.memory_space<vmem>>) dst(%dma_wait3A_68 : memref<320x128xf32, #tpu.memory_space<hbm>>)
      tpu.yield
    }) : () -> ()
    return
  }
}

</mosaic_0001>

<sc_bundles>
// kernel: _sc_build_h0.3.cloned.1.call-start
scs
__scs_entry_jumppad:
0x0: {  	(pc) =	sbr.rel $0x88, $3  }
0x1: {  	(tag) =	ssettag $0x0;
	lr =	simm.s32 $0x1  }
0x2: {  	[smem:$0x3F9E] =	sst lr;
	_ =	strace $0xD0000000  }
0x3: {  	_ = 	snop  }
0x4: {  	_ = 	snop  }
0x5: {  	_ = 	snop  }
0x6: {  	_ = 	snop  }
0x7: {  	_ = 	snop  }
__scs_overlays_trampoline_lowered:
0x8: {  	[smem:$0x3FAD] =	sst s0  }
0x9: {  	[smem:$0x3FAE] =	sst s1  }
0xa: {  	[smem:$0x3FAF] =	sst s2  }
0xb: {  	[smem:$0x3FB0] =	sst s3  }
0xc: {  	[smem:$0x3FB1] =	sst s4  }
0xd: {  	[smem:$0x3FB2] =	sst s5  }
0xe: {  	[smem:$0x3FB3] =	sst s6  }
0xf: {  	[smem:$0x3FB4] =	sst s7  }
0x10: {  	[smem:$0x3FB5] =	sst s8  }
0x11: {  	[smem:$0x3FB6] =	sst s9;
	s0 =	simm.s32 @!p0 $0x0  }
0x12: {  	s1 =	sld [smem:$0x3F9C];
	s0 =	simm.s32 @p0 $0x1  }
0x13: {  	[smem:$0x3FB7] =	sst s0;
	s0 =	simm.s32 @!p1 $0x0  }
0x14: {  	s2 =	sld [smem:$0x3F9B];
	s0 =	simm.s32 @p1 $0x1  }
0x15: {  	[smem:$0x3FB8] =	sst s0;
	s0 =	simm.s32 @!p2 $0x0  }
0x16: {  	s3 =	sld [smem:$0x3FDB];
	s0 =	simm.s32 @p2 $0x1  }
0x17: {  	s4 =	simm.s32 $0x1BF5;
	[smem:$0x3FBA] =	sst s0  }
0x18: {  	s0 =	sld [smem:$0x3F9D];
	_ =	swait.ge [sflag:s4], $0x0  }
0x19: {  	s7 =	sld [smem:$0x3F9E]  }
0x1a: {  	s8 =	sadd.s32 $0xFFFFE003, lr  }
0x1b: {  	s9 =	sadd.s32 $0xFFFFFEF7, lr;
	s5 =	simm.s32 $0xFFFFFFFF;
	p2 =	slt.u32 s8, $0xFFFFF086  }
0x1c: {  	p1 =	slt.u32 s9, $0xF7A;
	s5 =	simm.s32 @!p2 $0x0  }
0x1d: {  	s5 =	simm.s32 @p1 $0x1;
	p0 =	seq.s32 s7, s2  }
0x1e: {  	s7 =	smul.u32 @!p0 $0xF7A, s2;
	p2 =	seq.s32 @!p0 s5, $0x0  }
0x1f: {  	s9 =	smul.u32 $0xF7A, s1;
	s8 =	simm.s32 @!p0 $0x1BF5;
	p2 =	por !p2, p0  }
0x20: {  	[sflag:s8] =	ssyncset.s32 @!p0 $0xFFFFF086;
	s6 =	sadd.s32 @!p0 s3, s7;
	s7 =	simm.s32 @!p0 $0x108  }
0x21: {  	s3 =	sadd.s32 s3, s9;
	s6 =	sadd.s32 @!p0 $0x88, s6;
	s7 =	simm.s32 @p2 $0x1082  }
0x22: {  	[simem:s7], [sflag:s8] =	dma.local @!p0 [hbm:s6], $0xF7A  }
0x23: {  	s9 =	sor.u32 $0xD0000000, s2;
	s6 =	simm.s32 $0x108;
	_ =	swait.ge @!p0 [sflag:s8], $0x0  }
0x24: {  	s3 =	sadd.s32 $0x88, s3;
	s6 =	simm.s32 @!p1 $0x1082;
	[sflag:s4] =	ssyncset.s32 $0xFFFFF086  }
0x25: {  	[simem:s6], [sflag:s4] =	dma.local [hbm:s3], $0xF7A  }
0x26: {  	[smem:$0x3F9E] =	sst s1;
	(tag) =	ssettag s2;
	_ =	strace s9  }
0x27: {  	s1 =	sld [smem:$0x3FAE]  }
0x28: {  	s2 =	sld [smem:$0x3FAF]  }
0x29: {  	s4 =	sld [smem:$0x3FB1]  }
0x2a: {  	p0 =	seq.s32 s5, $0x0;
	s5 =	sld [smem:$0x3FB2]  }
0x2b: {  	s6 =	sld [smem:$0x3FB3]  }
0x2c: {  	s7 =	sld [smem:$0x3FB4]  }
0x2d: {  	s3 =	simm.s32 $0x108;
	s8 =	sld [smem:$0x3FB5]  }
0x2e: {  	s3 =	simm.s32 @!p0 $0x1082;
	s9 =	sld [smem:$0x3FB6]  }
0x2f: {  	lr =	sadd.s32 s0, s3;
	s0 =	sld [smem:$0x3FAD]  }
0x30: {  	s3 =	sld [smem:$0x3FB0]  }
0x31: {  	[smem:$0x3FB9] =	sst s10  }
0x32: {  	s10 =	sld [smem:$0x3FB7];
	_ =	sdelay $0x3  }
0x33: {  	p0 =	seq.s32 s10, $0x1;
	s10 =	sld [smem:$0x3FB9];
	_ =	sdelay $0x3  }
0x34: {  	[smem:$0x3FB9] =	sst s10  }
0x35: {  	s10 =	sld [smem:$0x3FB8];
	_ =	sdelay $0x3  }
0x36: {  	p1 =	seq.s32 s10, $0x1;
	s10 =	sld [smem:$0x3FB9];
	_ =	sdelay $0x3  }
0x37: {  	[smem:$0x3FB9] =	sst s10  }
0x38: {  	s10 =	sld [smem:$0x3FBA]  }
0x39: {  	_ = 	snop;
	(pc) =	sbr.ind lr, $3  }
0x3a: {  	_ = 	snop  }
0x3b: {  	_ = 	snop  }
0x3c: {  	p2 =	seq.s32 s10, $0x1;
	s10 =	sld [smem:$0x3FB9]  }
0x3d: {  	_ =	shalt  }
0x3e: {  	_ =	shalt  }
0x3f: {  	_ =	shalt  }
0x40: {  	_ =	shalt  }
0x41: {  	_ =	shalt  }
0x42: {  	_ =	shalt  }
0x43: {  	_ =	shalt  }
0x44: {  	_ =	shalt  }
0x45: {  	_ =	shalt  }
0x46: {  	_ =	shalt  }
0x47: {  	_ =	shalt  }
0x48: {  	_ =	shalt  }
0x49: {  	_ =	shalt  }
0x4a: {  	_ =	shalt  }
0x4b: {  	_ =	shalt  }
0x4c: {  	_ =	shalt  }
0x4d: {  	_ =	shalt  }
0x4e: {  	_ =	shalt  }
0x4f: {  	_ =	shalt  }
0x50: {  	_ =	shalt  }
0x51: {  	_ =	shalt  }
0x52: {  	_ =	shalt  }
0x53: {  	_ =	shalt  }
0x54: {  	_ =	shalt  }
0x55: {  	_ =	shalt  }
0x56: {  	_ =	shalt  }
0x57: {  	_ =	shalt  }
0x58: {  	_ =	shalt  }
0x59: {  	_ =	shalt  }
0x5a: {  	_ =	shalt  }
0x5b: {  	_ =	shalt  }
0x5c: {  	_ =	shalt  }
0x5d: {  	_ =	shalt  }
0x5e: {  	_ =	shalt  }
0x5f: {  	_ =	shalt  }
0x60: {  	_ =	shalt  }
0x61: {  	_ =	shalt  }
0x62: {  	_ =	shalt  }
0x63: {  	_ =	shalt  }
0x64: {  	_ =	shalt  }
0x65: {  	_ =	shalt  }
0x66: {  	_ =	shalt  }
0x67: {  	_ =	shalt  }
0x68: {  	_ =	shalt  }
0x69: {  	_ =	shalt  }
0x6a: {  	_ =	shalt  }
0x6b: {  	_ =	shalt  }
0x6c: {  	_ =	shalt  }
0x6d: {  	_ =	shalt  }
0x6e: {  	_ =	shalt  }
0x6f: {  	_ =	shalt  }
0x70: {  	_ =	shalt  }
0x71: {  	_ =	shalt  }
0x72: {  	_ =	shalt  }
0x73: {  	_ =	shalt  }
0x74: {  	_ =	shalt  }
0x75: {  	_ =	shalt  }
0x76: {  	_ =	shalt  }
0x77: {  	_ =	shalt  }
0x78: {  	_ =	shalt  }
0x79: {  	_ =	shalt  }
0x7a: {  	_ =	shalt  }
0x7b: {  	_ =	shalt  }
0x7c: {  	_ =	shalt  }
0x7d: {  	_ =	shalt  }
0x7e: {  	_ =	shalt  }
0x7f: {  	_ =	shalt  }
0x80: {  	_ =	shalt  }
0x81: {  	_ =	shalt  }
0x82: {  	_ =	shalt  }
0x83: {  	_ =	shalt  }
0x84: {  	_ =	shalt  }
0x85: {  	_ =	shalt  }
0x86: {  	_ =	shalt  }
0x87: {  	_ =	shalt  }
.Lfunc_end0:
.L_simem_size_0:
called_computation_lowered:
.L_overlay_start_0:
0x88: {  	s2 =	sld [smem:$0x3FD9]  }
0x89: {  	s3 =	sld [smem:$0x3FFE];
	_ =	sdelay $0x1  }
0x8a: {  	s1 =	srdreg.scid  }
0x8b: {  	s0 =	sand.u32 $0x1, s1  }
0x8c: {  	s17 =	sshll.u32 s0, $0xA;
	s2 =	sadd.s32 s3, s2  }
0x8d: {  	s2 =	sadd.s32 s2, s17  }
0x8e: {  	[smem:$0x3FC5] =	sst s2  }
0x8f: {  	_ = 	snop  }
0x90: {  	s2 =	sld [smem:$0x3FC9]  }
0x91: {  	s18 =	sld [smem:$0x3FC8]  }
0x92: {  	s4 =	sld [smem:$0x3FD0];
	(tm) =	ssettm $0x1  }
0x93: {  	s5 =	sld [smem:$0x3FFB];
	_ =	sdelay $0x3  }
0x94: {  	_ =	strace s5  }
0x95: {  	s5 =	sld [smem:$0x3FFC];
	_ =	sdelay $0x3  }
0x96: {  	_ =	strace s5  }
0x97: {  	s5 =	sld [smem:$0x3FFD];
	_ =	sdelay $0x3  }
0x98: {  	_ =	strace s5  }
0x99: {  	_ =	strace $0x8FFFFFFF  }
0x9a: {  	s19 =	sld [smem:$0x3FDB];
	_ =	sdelay $0x1  }
0x9b: {  	s6 =	simm.s32 $_scs_section_size  }
0x9c: {  	s7 =	simm.s32 $_size__tile_overlayer_lowered;
	s8 =	simm.s32 $_tile_overlayer_lowered  }
0x9d: {  	s22 =	simm.s32 $0x1BFF;
	s21 =	sshll.u32 s8, $0x1;
	s5 =	sadd.s32 s6, s19  }
0x9e: {  	s9 =	simm.s32 $0x0;
	s20 =	sshll.u32 s7, $0x1;
	s7 =	sadd.s32 s21, s5  }
0x9f: {  	[timem:s9], [sflag:s22] =	dma.local [hbm:s7], s20  }
0xa0: {  	_ =	swait.ge [sflag:s22], s20  }
0xa1: {  	s6 =	ssub.s32 $0x0, s20;
	[sflag:s22] =	ssyncset.done $0x0  }
0xa2: {  	[sflag:s22] =	ssyncadd.s32 s6;
	_ =	sdelay $0x1  }
0xa3: {  	s23 =	simm.s32 $0x1B8B  }
0xa4: {  	_ =	swait.ge [sflag:s23], $0x1  }
0xa5: {  	[sflag:s23] =	ssyncset.done $0x0  }
0xa6: {  	s25 =	simm.s32 $0x1B8E;
	s24 =	sld [smem:$0x3FFE];
	[sflag:s23] =	ssyncadd.s32 $0xFFFFFFFF  }
0xa7: {  	s26 =	simm.s32 $execute0_lowered;
	[smem:$0x3FD2] =	sst s25  }
0xa8: {  	s7 =	sshll.u32 s26, $0x1;
	_ =	strace $0x80000046;
	[dreg:$0x1] =	wrdreg $0xFFFFFFFF  }
0xa9: {  	s28 =	simm.s32 $_size_execute0_lowered;
	s5 =	sadd.s32 s5, s7;
	[dreg:$0x0] =	wrdreg $0x0  }
0xaa: {  	s7 =	sshll.u32 s28, $0x1;
	[dreg:$0x2] =	wrdreg s5  }
0xab: {  	[dreg:$0x3] =	wrdreg s7  }
0xac: {  	[dreg:$0x4] =	wrdreg $0xC0  }
0xad: {  	_ =	task [dreg:s9], $0x5FFFF  }
0xae: {  	[dreg:$0x1] =	wrdreg $0xFFFFFFFF  }
0xaf: {  	[dreg:$0x0] =	wrdreg $0x60  }
0xb0: {  	[dreg:$0x2] =	wrdreg s2  }
0xb1: {  	[dreg:$0x3] =	wrdreg s18  }
0xb2: {  	[dreg:$0x4] =	wrdreg s24  }
0xb3: {  	[dreg:$0x5] =	wrdreg s4  }
0xb4: {  	[dreg:$0x6] =	wrdreg $0x9  }
0xb5: {  	_ =	task.clear_ibuf [dreg:s9], $0x7FFFF;
	_ =	strace $0x90000046  }
0xb6: {  	s29 =	simm.s32 $0x9;
	_ =	strace $0x80000048  }
0xb7: {  	_ =	swait.ge [sflag:s29], $0x1  }
0xb8: {  	[sflag:s29] =	ssyncadd.s32 $0xFFFFFFFF  }
0xb9: {  	_ =	strace $0x90000048  }
0xba: {  	_ =	sfence  }
0xbb: {  	s30 =	sld [smem:$0x0];
	_ =	sdelay $0x2  }
0xbc: {  	s31 =	sshll.u32 s1, $0xD;
	s1 =	sshrl.u32 s1, $0x2  }
0xbd: {  	s3 =	sand.u32 $0x4000, s31;
	s1 =	sadd.s32 s1, s30  }
0xbe: {  	s0 =	sor.u32 s3, s0;
	s1 =	sshll.u32 s1, $0x11  }
0xbf: {  	s0 =	sor.u32 s1, s0  }
0xc0: {  	s0 =	sadd.s32 $0x8F2B, s0  }
0xc1: {  	[sflag:s0] =	ssyncadd.remote.s32 $0x1  }
0xc2: {  	_ =	sfence.sel $0xFFFF  }
0xc3: {  	[dreg:$0x0] =	wrdreg $0xFFFFFFFF;
	(pc) =	sbr.abs _section_cstart, $3  }
0xc4: {  	[dreg:$0x1] =	wrdreg $0xFFFFFFFF  }
0xc5: {  	_ =	task.clear_ibuf [dreg:s9], $0x2FFFF;
	_ =	strace $0x9FFFFFFF  }
0xc6: {  	(tm) =	ssettm $0x7FFFFFFF  }
0xc7: {  	_ =	shalt  }
tec
execute0_lowered:
.L_overlay_start_1:
0x0: {  	(tag) =	ssettag $0x1  }
0x1: {  	s1 =	rddreg [dreg:$0x0]  }
0x2: {  	s5 =	rddreg [dreg:$0x1]  }
0x3: {  	s4 =	rddreg [dreg:$0x2];
	s2 =	srdreg.scid  }
0x4: {  	s0 =	stileid.u32;
	s6 =	rddreg [dreg:$0x3];
	s11 =	simm.s32 $0x180  }
0x5: {  	s12 =	simm.s32 $0x4180;
	s13 =	simm.s32 $0x40;
	s14 =	simm.s32 $0x100  }
0x6: {  	s15 =	simm.s32 $0x8180;
	s16 =	simm.s32 $0x2;
	s17 =	simm.s32 $0x1  }
0x7: {  	s18 =	simm.s32 $0x0;
	s7 =	sand.u32 $0x1, s2;
	s3 =	sshll.u32 s0, $0x1  }
0x8: {  	s2 =	rddreg [dreg:$0x4];
	s8 =	sor.u32 s7, s3;
	s3 =	simm.s32 $0x0  }
0x9: {  	s7 =	ssub.s32 $0x2, s7;
	s9 =	smul.u32 $0x1400, s8;
	[smem:$0x7FF] =	sst s3  }
0xa: {  	s10 =	sshrl.u32 s7, $0x1;
	s8 =	smul.u32 $0x28, s8;
	_ =	strace $0x80000047  }
0xb: {  	s7 =	ssub.s32 s7, s10;
	s10 =	simm.s32 $0x80;
	s4 =	sadd.s32 s9, s4  }
0xc: {  	s5 =	sadd.s32 s5, s8;
	s6 =	sadd.s32 s6, s9;
	s7 =	smax.u32 s7, $0x1  }
0xd: {  	s8 =	simm.s32 $0xA180;
	s9 =	simm.s32 $0x3;
	s4 =	sadd.s32 $0x400, s4  }
.LBB2_1:
0xe: {  	[tilespmem:s8], [sflag:$0x2] =	stream.linear.gather [hbm4b:s4+s3], $0xA000, $0x38;
	[tilespmem:$0x14180] =	vst v63  }
0xf: {  	_ = 	snop  }
0x10: {  	[tilespmem:s3], [sflag:$0x3] =	stream.linear.gather [hbm4b:s5+s3], $0x140, $0x38;
	[tilespmem:$0x14180] =	vst v63  }
0x11: {  	_ =	swait.ge [sflag:s9], $0x140  }
0x12: {  	[sflag:s9] =	ssyncset.done $0x0  }
0x13: {  	[sflag:s9] =	ssyncadd.s32 $0xFFFFFEC0  }
0x14: {  	[tilespmem:s11], [sflag:$0x1] =	stream.indirect.gather [hbm4b:s1+s10], $0x80, s3, s10, $0xb8;
	[tilespmem:$0x14180] =	vst v63  }
0x15: {  	_ = 	snop  }
0x16: {  	[tilespmem:s12], [sflag:$0x1] =	stream.indirect.gather [hbm4b:s1+s10], $0x80, s10, s10, $0xb8;
	[tilespmem:$0x14180] =	vst v63  }
0x17: {  	_ = 	snop  }
0x18: {  	[tilespmem:s15], [sflag:$0x1] =	stream.indirect.gather [hbm4b:s1+s13], $0x80, s14, s13, $0xb8;
	[tilespmem:$0x14180] =	vst v63  }
0x19: {  	_ =	swait.ge [sflag:s16], $0xA000  }
0x1a: {  	[sflag:s16] =	ssyncset.done $0x0  }
0x1b: {  	[sflag:s16] =	ssyncadd.s32 $0xFFFF6000  }
0x1c: {  	_ =	swait.ge [sflag:s17], $0x4000  }
0x1d: {  	[sflag:s17] =	ssyncset.done $0x0  }
0x1e: {  	[sflag:s17] =	ssyncadd.s32 $0xFFFFC000  }
0x1f: {  	_ =	swait.ge [sflag:s17], $0x4000  }
0x20: {  	[sflag:s17] =	ssyncset.done $0x0  }
0x21: {  	[sflag:s17] =	ssyncadd.s32 $0xFFFFC000  }
0x22: {  	_ =	swait.ge [sflag:s17], $0x2000  }
0x23: {  	[sflag:s17] =	ssyncset.done $0x0  }
0x24: {  	s19 =	simm.s32 $0x0;
	[sflag:s17] =	ssyncadd.s32 $0xFFFFE000  }
0x25: {  	v0 =	vld [tilespmem:s19+$0xA1B0]  }
0x26: {  	v1 =	vld [tilespmem:s19+$0xA180]  }
0x27: {  	v2 =	vld [tilespmem:s19+$0xA190]  }
0x28: {  	s20 =	simm.s32 $0x200;
	v3 =	vld [tilespmem:s19+$0xA1A0]  }
.LBB2_2:
0x29: {  	p0 =	sne.s32 s20, $0x27E00  }
.Ltmp0:
0x2a: {  	s21 =	sshra.s32 s20, $0x2;
	s20 =	sadd.s32 $0x200, s20;
	[tilespmem:s19+$0x1B0] =	vst v0;
	(pc) =	sbr.rel @p0 .LBB2_2-.Ltmp0, $4  }
0x2b: {  	v0 =	vld [tilespmem:s21+$0xA1B0];
	[tilespmem:s19+$0x180] =	vst v1  }
0x2c: {  	v1 =	vld [tilespmem:s21+$0xA180];
	[tilespmem:s19+$0x190] =	vst v2  }
0x2d: {  	v2 =	vld [tilespmem:s21+$0xA190];
	[tilespmem:s19+$0x1A0] =	vst v3;
	s19 =	smov.u32 s21  }
0x2e: {  	v3 =	vld [tilespmem:s19+$0xA1A0]  }
0x2f: {  	_ = 	snop  }
0x30: {  	[tilespmem:s19+$0x1B0] =	vst v0  }
0x31: {  	s18 =	sadd.s32 $0x1, s18;
	[tilespmem:s19+$0x180] =	vst v1  }
0x32: {  	p0 =	sne.s32 s18, s7;
	[tilespmem:s19+$0x190] =	vst v2  }
.Ltmp1:
0x33: {  	[tilespmem:s19+$0x1A0] =	vst v3;
	(pc) =	sbr.rel @p0 .LBB2_1-.Ltmp1, $4  }
0x34: {  	[hbm4b:s6+s3] =	stream.linear.scatter [tilespmem:s11], [sflag:$0x3], $0xA000, $0x38;
	[tilespmem:$0x14180] =	vst v63  }
0x35: {  	_ =	swait.ge [sflag:s9], $0xA000  }
0x36: {  	[sflag:s9] =	ssyncset.done $0x0  }
0x37: {  	[sflag:s9] =	ssyncadd.s32 $0xFFFF6000  }
0x38: {  	_ =	sfence.sel $0x180000  }
0x39: {  	[bflag:$0x0] =	sbarrier.arrive $0xFFFF  }
0x3a: {  	p0 =	sne.s32 s0, $0x0;
	_ =	strace $0x90000047  }
0x3b: {  	s0 =	sadd.s32 @!p0 $0x100000, s2;
	[bflag:$0x2] =	sbarrier.arrive $0xFFFF  }
0x3c: {  	[sflag:s0] =	ssyncadd.tile.s32 @!p0 $0x1;
	_ =	shalt  }
.Lfunc_end2:
_tile_overlayer_lowered:
.L_overlay_start_2:
0x3d: {  	(tag) =	ssettag $0x2  }
0x3e: {  	s0 =	rddreg [dreg:$0x0];
	s2 =	stileid.u32  }
0x3f: {  	s1 =	rddreg [dreg:$0x1];
	p0 =	sne.s32 s2, $0x0  }
0x40: {  	s3 =	rddreg [dreg:$0x2];
	[bflag:$0x3] =	sbarrier.arrive $0xFFFF;
	s2 =	simm.s32 @!p0 $0x1C03  }
0x41: {  	[timem:s3], [sflag:s2] =	dma.local @!p0 [hbm:s0], s1  }
0x42: {  	s0 =	simm.s32 @!p0 $0x3  }
0x43: {  	_ =	swait.ge @!p0 [sflag:s0], s1  }
0x44: {  	s1 =	ssub.s32 @!p0 $0x0, s1;
	[sflag:s0] =	ssyncset.done @!p0 $0x0  }
0x45: {  	[sflag:s0] =	ssyncadd.s32 @!p0 s1  }
0x46: {  	[bflag:$0x3] =	sbarrier.arrive $0xFFFF  }
0x47: {  	_ =	shalt  }

</sc_bundles>
